<compile_context>
chip_gen: v7x
topology: tpu7x:2x2x1
jax: 0.10.2.dev20260603
libtpu: 0.0.44.dev20260713+nightly
codegen_flags: <defaults>
</compile_context>

<pallas_src>
import functools

import jax
import jax.numpy as jnp
from jax import lax
from jax.experimental import pallas as pl
from jax.experimental.pallas import tpu as pltpu
from jax.experimental.pallas import tpu_sc as plsc

_VOCAB = 1000000
_CLS_ID = _VOCAB
_SEP_ID = _VOCAB + 1

_Q = 200
_D = 26
_L = 50
_HEAD = _Q + 2
_N = _HEAD + _D * (_L + 1)
_NW = 32
_CHUNK = 48
_NSEG = 4
_SEGCHUNK = 384


def _body(query_hbm, domains_hbm, vocab_hbm, ids_out, seg_out,
          q_v, dom_v, idx_v, seg_v, rows_v,
          sem_q, sem_d, sem_g, sem_s, sem_i):
    wid = lax.axis_index("s") * 2 + (1 - lax.axis_index("c"))
    base = pl.multiple_of(jnp.minimum(wid * _CHUNK, _N - _CHUNK), 8)

    needs_q = base < _Q + 1
    needs_d = base + _CHUNK > _HEAD

    @pl.when(needs_q)
    def _():
        pltpu.async_copy(query_hbm, q_v, sem_q)

    @pl.when(needs_d)
    def _():
        pltpu.async_copy(domains_hbm, dom_v, sem_d)

    ts, ds_, jjs = [], [], []
    for j in range(_CHUNK // 16):
        t = base + j * 16 + lax.iota(jnp.int32, 16)
        u = jnp.maximum(t - _HEAD, 0)
        d = lax.div(u, jnp.full((16,), _L + 1, jnp.int32))
        jj = u - d * (_L + 1)
        ts.append(t); ds_.append(d); jjs.append(jj)

    segbase = pl.multiple_of(jnp.minimum(wid * _SEGCHUNK, _N - _SEGCHUNK), 8)

    @pl.when(wid < _NSEG)
    def _():
        def seg_iter(i, carry):
            t2 = segbase + i * 16 + lax.iota(jnp.int32, 16)
            u2 = jnp.maximum(t2 - _HEAD, 0)
            d2 = lax.div(u2, jnp.full((16,), _L + 1, jnp.int32))
            seg_v[pl.ds(i * 16, 16)] = jnp.where(t2 < _HEAD, 0, d2 + 1)
            return carry
        lax.fori_loop(0, _SEGCHUNK // 16, seg_iter, 0)
        pltpu.async_copy(seg_v, seg_out.at[pl.ds(segbase, _SEGCHUNK)], sem_s)

    @pl.when(needs_q)
    def _():
        pltpu.make_async_copy(query_hbm, q_v, sem_q).wait()

    @pl.when(needs_d)
    def _():
        pltpu.make_async_copy(domains_hbm, dom_v, sem_d).wait()
    for j in range(_CHUNK // 16):
        t, d, jj = ts[j], ds_[j], jjs[j]
        qi = jnp.clip(t - 1, 0, _Q - 1)
        jcl = jnp.minimum(jj, _L - 1)
        qval = plsc.load_gather(q_v, [qi])
        dval = plsc.load_gather(dom_v, [d, jcl])
        val = jnp.where(t < _HEAD, qval,
                        jnp.where(jj == _L, _SEP_ID, dval))
        val = jnp.where(t == 0, _CLS_ID,
                        jnp.where(t == _HEAD - 1, _SEP_ID, val))
        idx_v[pl.ds(j * 16, 16)] = val

    pltpu.async_copy(vocab_hbm.at[idx_v], rows_v, sem_g).wait()

    pltpu.async_copy(rows_v, ids_out.at[pl.ds(base, _CHUNK)], sem_i).wait()

    @pl.when(wid < _NSEG)
    def _():
        pltpu.make_async_copy(
            seg_v, seg_out.at[pl.ds(segbase, _SEGCHUNK)], sem_s).wait()


@jax.jit
def kernel(query_tok, domains, vocab_map):
    mesh = plsc.VectorSubcoreMesh(core_axis_name="c", subcore_axis_name="s")
    k = functools.partial(
        pl.kernel,
        out_type=[
            jax.ShapeDtypeStruct((_N,), jnp.int32),
            jax.ShapeDtypeStruct((_N,), jnp.int32),
        ],
        mesh=mesh,
        scratch_types=[
            pltpu.VMEM((_Q,), jnp.int32),
            pltpu.VMEM((_D, _L), jnp.int32),
            pltpu.VMEM((_CHUNK,), jnp.int32),
            pltpu.VMEM((_SEGCHUNK,), jnp.int32),
            pltpu.VMEM((_CHUNK,), jnp.int32),
            pltpu.SemaphoreType.DMA,
            pltpu.SemaphoreType.DMA,
            pltpu.SemaphoreType.DMA,
            pltpu.SemaphoreType.DMA,
            pltpu.SemaphoreType.DMA,
        ],
        compiler_params=pltpu.CompilerParams(needs_layout_passes=False),
    )(_body)
    ids, seg = k(query_tok, domains, vocab_map)
    return ids, seg

# --- scband reference (transcript-rebuilt; emitter-appended) ---
"""Pipeline reference for scband-multi-domain-concator-44427141709987 (READ-ONLY COPY).

The authoritative reference and input builder live on the scoring server;
editing this copy changes nothing except your own understanding.
"""

import jax, jax.numpy as jnp
import numpy as np

VOCAB = 1000000
CLS_ID = VOCAB      # '[CLS]' row appended at end of vocab table
SEP_ID = VOCAB + 1  # '[SEP]' row appended at end of vocab table


def setup_inputs(seed: int = 0) -> dict:
    key = jax.random.key(seed)
    k1, k2 = jax.random.split(key)
    # tokens are pre-hashed to integer token indices into the vocab file order
    query_tok = jax.random.randint(k1, (200,), 0, VOCAB, dtype=jnp.int32)
    domains = jax.random.randint(k2, (26, 50), 0, VOCAB, dtype=jnp.int32)
    # TableLookup: vocab[token] = line index in vocab file -> identity permutation table
    # (a true gather; stands in for the dict lookup). Two extra rows for CLS/SEP.
    vocab_map = jnp.arange(VOCAB + 2, dtype=jnp.int32)
    return {"query_tok": query_tok, "domains": domains, "vocab_map": vocab_map}


def reference(query_tok, domains, vocab_map):
    # skip_query=False, skip_domains=False, skip_empty=True (no empty domains
    # with fixed dense shapes, so no domain is skipped)
    D, L = domains.shape
    cls_tok = jnp.array([CLS_ID], dtype=query_tok.dtype)
    sep_tok = jnp.array([SEP_ID], dtype=query_tok.dtype)
    # inputs = [CLS] + query + [SEP]
    head = jnp.concatenate([cls_tok, query_tok, sep_tok])
    seg_head = jnp.zeros(head.shape[0], dtype=jnp.int32)
    # each domain i: domain tokens + [SEP], segment id = i+1
    dom_with_sep = jnp.concatenate(
        [domains, jnp.full((D, 1), SEP_ID, dtype=domains.dtype)], axis=1
    ).reshape(-1)
    seg_dom = jnp.repeat(jnp.arange(1, D + 1, dtype=jnp.int32), L + 1)
    inputs = jnp.concatenate([head, dom_with_sep])
    segment_ids = jnp.concatenate([seg_head, seg_dom])
    assert inputs.shape[0] == segment_ids.shape[0]
    # TableLookup forward: ids[t] = vocab[inputs[t]]  (gather from 1M+2 row table)
    input_ids = jnp.take(vocab_map, inputs, axis=0)
    return (input_ids, segment_ids)

if __name__ == "__main__":
    import jax
    _d = setup_inputs()
    print(jax.jit(kernel)(*tuple(_d.values())))

</pallas_src>

<mosaic_0001>
#map = affine_map<(d0, d1) -> (0)>
#map1 = affine_map<(d0, d1) -> (0, 0)>
module attributes {stable_mosaic.version = 14 : i64} {
  func.func @_body(%arg0: i32, %arg1: i32, %arg2: memref<200xi32, #tpu.memory_space<hbm>>, %arg3: memref<26x50xi32, #tpu.memory_space<hbm>>, %arg4: memref<1000002xi32, #tpu.memory_space<hbm>>, %arg5: memref<1528xi32, #tpu.memory_space<hbm>>, %arg6: memref<1528xi32, #tpu.memory_space<hbm>>, %arg7: memref<200xi32, #tpu.memory_space<vmem>>, %arg8: memref<26x50xi32, #tpu.memory_space<vmem>>, %arg9: memref<48xi32, #tpu.memory_space<vmem>>, %arg10: memref<384xi32, #tpu.memory_space<vmem>>, %arg11: memref<48xi32, #tpu.memory_space<vmem>>, %arg12: memref<!tpu.dma_semaphore, #tpu.memory_space<semaphore_mem>>, %arg13: memref<!tpu.dma_semaphore, #tpu.memory_space<semaphore_mem>>, %arg14: memref<!tpu.dma_semaphore, #tpu.memory_space<semaphore_mem>>, %arg15: memref<!tpu.dma_semaphore, #tpu.memory_space<semaphore_mem>>, %arg16: memref<!tpu.dma_semaphore, #tpu.memory_space<semaphore_mem>>) attributes {dimension_semantics = [#tpu.dimension_semantics<core_parallel>, #tpu.dimension_semantics<subcore_parallel>], iteration_bounds = array<i64: 2, 16>, scalar_prefetch = 0 : i64, scratch_operands = 10 : i64, tpu.core_type = #tpu.core_type<sc_vector_subcore>, window_params = [{transform_indices = #map}, {transform_indices = #map1}, {transform_indices = #map}, {transform_indices = #map}, {transform_indices = #map}]} {
    %mul3A = arith.constant 2 : i32
    %mul3A_0 = arith.muli %arg1, %mul3A : i32
    %sub3A = arith.constant 1 : i32
    %sub3A_1 = arith.subi %sub3A, %arg0 : i32
    %add3A = arith.addi %mul3A_0, %sub3A_1 : i32
    %mul3A_2 = arith.constant 48 : i32
    %mul3A_3 = arith.muli %add3A, %mul3A_2 : i32
    %min3A = arith.constant 1480 : i32
    %min3A_4 = arith.minsi %mul3A_3, %min3A : i32
    %multiple_of3A = tpu.assume_multiple %min3A_4, 8 : i32
    %lt3A = arith.constant 201 : i32
    %lt3A_5 = arith.cmpi slt, %multiple_of3A, %lt3A : i32
    %add3A_6 = arith.constant 48 : i32
    %add3A_7 = arith.addi %multiple_of3A, %add3A_6 : i32
    %gt3A = arith.constant 202 : i32
    %gt3A_8 = arith.cmpi sgt, %add3A_7, %gt3A : i32
    %convert_element_type3A = arith.extui %lt3A_5 : i1 to i32
    %cond3A = arith.constant 0 : i32
    %cond3A_9 = arith.cmpi ne, %convert_element_type3A, %cond3A : i32
    scf.if %cond3A_9 {
      tpu.enqueue_dma source(%arg2 : memref<200xi32, #tpu.memory_space<hbm>>) target(%arg7 : memref<200xi32, #tpu.memory_space<vmem>>) target_semaphore(%arg12 : memref<!tpu.dma_semaphore, #tpu.memory_space<semaphore_mem>>)
    } else {
    }
    %convert_element_type3A_10 = arith.extui %gt3A_8 : i1 to i32
    %cond3A_11 = arith.constant 0 : i32
    %cond3A_12 = arith.cmpi ne, %convert_element_type3A_10, %cond3A_11 : i32
    scf.if %cond3A_12 {
      tpu.enqueue_dma source(%arg3 : memref<26x50xi32, #tpu.memory_space<hbm>>) target(%arg8 : memref<26x50xi32, #tpu.memory_space<vmem>>) target_semaphore(%arg13 : memref<!tpu.dma_semaphore, #tpu.memory_space<semaphore_mem>>)
    } else {
    }
    %add3A_13 = arith.constant 0 : i32
    %add3A_14 = arith.addi %multiple_of3A, %add3A_13 : i32
    %iota3A = tpu.iota {dimensions = array<i32: 0>} : vector<16xi32>
    %add3A_15 = vector.broadcast %add3A_14 : i32 to vector<16xi32>
    %add3A_16 = arith.addi %add3A_15, %iota3A : vector<16xi32>
    %sub3A_17 = arith.constant 202 : i32
    %sub3A_18 = vector.broadcast %sub3A_17 : i32 to vector<16xi32>
    %sub3A_19 = arith.subi %add3A_16, %sub3A_18 : vector<16xi32>
    %max3A = arith.constant 0 : i32
    %max3A_20 = vector.broadcast %max3A : i32 to vector<16xi32>
    %max3A_21 = arith.maxsi %sub3A_19, %max3A_20 : vector<16xi32>
    %broadcast_in_dim3A = arith.constant 51 : i32
    %broadcast_in_dim3A_22 = vector.broadcast %broadcast_in_dim3A : i32 to vector<16xi32>
    %div3A = arith.divsi %max3A_21, %broadcast_in_dim3A_22 : vector<16xi32>
    %mul3A_23 = arith.constant 51 : i32
    %mul3A_24 = vector.broadcast %mul3A_23 : i32 to vector<16xi32>
    %mul3A_25 = arith.muli %div3A, %mul3A_24 : vector<16xi32>
    %sub3A_26 = arith.subi %max3A_21, %mul3A_25 : vector<16xi32>
    %add3A_27 = arith.constant 16 : i32
    %add3A_28 = arith.addi %multiple_of3A, %add3A_27 : i32
    %iota3A_29 = tpu.iota {dimensions = array<i32: 0>} : vector<16xi32>
    %add3A_30 = vector.broadcast %add3A_28 : i32 to vector<16xi32>
    %add3A_31 = arith.addi %add3A_30, %iota3A_29 : vector<16xi32>
    %sub3A_32 = arith.constant 202 : i32
    %sub3A_33 = vector.broadcast %sub3A_32 : i32 to vector<16xi32>
    %sub3A_34 = arith.subi %add3A_31, %sub3A_33 : vector<16xi32>
    %max3A_35 = arith.constant 0 : i32
    %max3A_36 = vector.broadcast %max3A_35 : i32 to vector<16xi32>
    %max3A_37 = arith.maxsi %sub3A_34, %max3A_36 : vector<16xi32>
    %broadcast_in_dim3A_38 = arith.constant 51 : i32
    %broadcast_in_dim3A_39 = vector.broadcast %broadcast_in_dim3A_38 : i32 to vector<16xi32>
    %div3A_40 = arith.divsi %max3A_37, %broadcast_in_dim3A_39 : vector<16xi32>
    %mul3A_41 = arith.constant 51 : i32
    %mul3A_42 = vector.broadcast %mul3A_41 : i32 to vector<16xi32>
    %mul3A_43 = arith.muli %div3A_40, %mul3A_42 : vector<16xi32>
    %sub3A_44 = arith.subi %max3A_37, %mul3A_43 : vector<16xi32>
    %add3A_45 = arith.constant 32 : i32
    %add3A_46 = arith.addi %multiple_of3A, %add3A_45 : i32
    %iota3A_47 = tpu.iota {dimensions = array<i32: 0>} : vector<16xi32>
    %add3A_48 = vector.broadcast %add3A_46 : i32 to vector<16xi32>
    %add3A_49 = arith.addi %add3A_48, %iota3A_47 : vector<16xi32>
    %sub3A_50 = arith.constant 202 : i32
    %sub3A_51 = vector.broadcast %sub3A_50 : i32 to vector<16xi32>
    %sub3A_52 = arith.subi %add3A_49, %sub3A_51 : vector<16xi32>
    %max3A_53 = arith.constant 0 : i32
    %max3A_54 = vector.broadcast %max3A_53 : i32 to vector<16xi32>
    %max3A_55 = arith.maxsi %sub3A_52, %max3A_54 : vector<16xi32>
    %broadcast_in_dim3A_56 = arith.constant 51 : i32
    %broadcast_in_dim3A_57 = vector.broadcast %broadcast_in_dim3A_56 : i32 to vector<16xi32>
    %div3A_58 = arith.divsi %max3A_55, %broadcast_in_dim3A_57 : vector<16xi32>
    %mul3A_59 = arith.constant 51 : i32
    %mul3A_60 = vector.broadcast %mul3A_59 : i32 to vector<16xi32>
    %mul3A_61 = arith.muli %div3A_58, %mul3A_60 : vector<16xi32>
    %sub3A_62 = arith.subi %max3A_55, %mul3A_61 : vector<16xi32>
    %mul3A_63 = arith.constant 384 : i32
    %mul3A_64 = arith.muli %add3A, %mul3A_63 : i32
    %min3A_65 = arith.constant 1144 : i32
    %min3A_66 = arith.minsi %mul3A_64, %min3A_65 : i32
    %multiple_of3A_67 = tpu.assume_multiple %min3A_66, 8 : i32
    %lt3A_68 = arith.constant 4 : i32
    %lt3A_69 = arith.cmpi slt, %add3A, %lt3A_68 : i32
    %convert_element_type3A_70 = arith.extui %lt3A_69 : i1 to i32
    %cond3A_71 = arith.constant 0 : i32
    %cond3A_72 = arith.cmpi ne, %convert_element_type3A_70, %cond3A_71 : i32
    scf.if %cond3A_72 {
      %scan3A = arith.constant 0 : i32
      %scan3A_199 = arith.constant 0 : i32
      %scan3A_200 = arith.constant 24 : i32
      %scan3A_201 = arith.addi %scan3A_199, %scan3A_200 : i32
      %scan3A_202 = arith.constant 1 : i32
      scf.for %scan3A_206 = %scan3A_199 to %scan3A_201 step %scan3A_202  : i32 {
        %mul3A_207 = arith.constant 16 : i32
        %mul3A_208 = arith.muli %scan3A_206, %mul3A_207 : i32
        %add3A_209 = arith.addi %multiple_of3A_67, %mul3A_208 : i32
        %iota3A_210 = tpu.iota {dimensions = array<i32: 0>} : vector<16xi32>
        %add3A_211 = vector.broadcast %add3A_209 : i32 to vector<16xi32>
        %add3A_212 = arith.addi %add3A_211, %iota3A_210 : vector<16xi32>
        %sub3A_213 = arith.constant 202 : i32
        %sub3A_214 = vector.broadcast %sub3A_213 : i32 to vector<16xi32>
        %sub3A_215 = arith.subi %add3A_212, %sub3A_214 : vector<16xi32>
        %max3A_216 = arith.constant 0 : i32
        %max3A_217 = vector.broadcast %max3A_216 : i32 to vector<16xi32>
        %max3A_218 = arith.maxsi %sub3A_215, %max3A_217 : vector<16xi32>
        %broadcast_in_dim3A_219 = arith.constant 51 : i32
        %broadcast_in_dim3A_220 = vector.broadcast %broadcast_in_dim3A_219 : i32 to vector<16xi32>
        %div3A_221 = arith.divsi %max3A_218, %broadcast_in_dim3A_220 : vector<16xi32>
        %lt3A_222 = arith.constant 202 : i32
        %lt3A_223 = vector.broadcast %lt3A_222 : i32 to vector<16xi32>
        %lt3A_224 = arith.cmpi slt, %add3A_212, %lt3A_223 : vector<16xi32>
        %add3A_225 = arith.constant 1 : i32
        %add3A_226 = vector.broadcast %add3A_225 : i32 to vector<16xi32>
        %add3A_227 = arith.addi %div3A_221, %add3A_226 : vector<16xi32>
        %jit3A_228 = arith.constant 0 : i32
        %broadcast_in_dim3A_229 = vector.broadcast %jit3A_228 : i32 to vector<16xi32>
        %select_n3A_230 = arith.select %lt3A_224, %broadcast_in_dim3A_229, %add3A_227 : vector<16xi1>, vector<16xi32>
        %mul3A_231 = arith.constant 16 : i32
        %mul3A_232 = arith.muli %scan3A_206, %mul3A_231 : i32
        %swap3A_233 = arith.index_cast %mul3A_232 : i32 to index
        %swap3A_234 = tpu.vector_load %arg10[%swap3A_233] {strides = array<i32>} : memref<384xi32, #tpu.memory_space<vmem>>, vector<16xi32>,
        tpu.vector_store %arg10[%swap3A_233], %select_n3A_230 {strides = array<i32>} : memref<384xi32, #tpu.memory_space<vmem>>, vector<16xi32>,
      }
      %scan3A_203 = arith.constant 24 : i32
      %dma_start3A_204 = tpu.memref_slice %arg6[%multiple_of3A_67] : memref<1528xi32, #tpu.memory_space<hbm>> -> memref<384xi32, #tpu.memory_space<hbm>>
      %dma_start3A_205 = tpu.memref_slice %arg6[%multiple_of3A_67] : memref<1528xi32, #tpu.memory_space<hbm>> -> memref<384xi32, #tpu.memory_space<hbm>>
      tpu.enqueue_dma source(%arg10 : memref<384xi32, #tpu.memory_space<vmem>>) target(%dma_start3A_205 : memref<384xi32, #tpu.memory_space<hbm>>) target_semaphore(%arg15 : memref<!tpu.dma_semaphore, #tpu.memory_space<semaphore_mem>>)
    } else {
    }
    %convert_element_type3A_73 = arith.extui %lt3A_5 : i1 to i32
    %cond3A_74 = arith.constant 0 : i32
    %cond3A_75 = arith.cmpi ne, %convert_element_type3A_73, %cond3A_74 : i32
    scf.if %cond3A_75 {
      tpu.wait_dma2 semaphore(%arg12 : memref<!tpu.dma_semaphore, #tpu.memory_space<semaphore_mem>>) src(%arg2 : memref<200xi32, #tpu.memory_space<hbm>>) dst(%arg7 : memref<200xi32, #tpu.memory_space<vmem>>)
    } else {
    }
    %convert_element_type3A_76 = arith.extui %gt3A_8 : i1 to i32
    %cond3A_77 = arith.constant 0 : i32
    %cond3A_78 = arith.cmpi ne, %convert_element_type3A_76, %cond3A_77 : i32
    scf.if %cond3A_78 {
      tpu.wait_dma2 semaphore(%arg13 : memref<!tpu.dma_semaphore, #tpu.memory_space<semaphore_mem>>) src(%arg3 : memref<26x50xi32, #tpu.memory_space<hbm>>) dst(%arg8 : memref<26x50xi32, #tpu.memory_space<vmem>>)
    } else {
    }
    %sub3A_79 = arith.constant 1 : i32
    %sub3A_80 = vector.broadcast %sub3A_79 : i32 to vector<16xi32>
    %sub3A_81 = arith.subi %add3A_16, %sub3A_80 : vector<16xi32>
    %jit3A = arith.constant 0 : i32
    %jit3A_82 = arith.constant 199 : i32
    %max3A_83 = vector.broadcast %jit3A : i32 to vector<16xi32>
    %max3A_84 = arith.maxsi %max3A_83, %sub3A_81 : vector<16xi32>
    %min3A_85 = vector.broadcast %jit3A_82 : i32 to vector<16xi32>
    %min3A_86 = arith.minsi %min3A_85, %max3A_84 : vector<16xi32>
    %min3A_87 = arith.constant 49 : i32
    %min3A_88 = vector.broadcast %min3A_87 : i32 to vector<16xi32>
    %min3A_89 = arith.minsi %sub3A_26, %min3A_88 : vector<16xi32>
    %gather3A = tpu.vector_load_idx %arg7[%min3A_86] : memref<200xi32, #tpu.memory_space<vmem>>[vector<16xi32>], vector<16xi32>,
    %gather3A_90 = tpu.vector_load_idx %arg8[%div3A, %min3A_89] : memref<26x50xi32, #tpu.memory_space<vmem>>[vector<16xi32>, vector<16xi32>], vector<16xi32>,
    %lt3A_91 = arith.constant 202 : i32
    %lt3A_92 = vector.broadcast %lt3A_91 : i32 to vector<16xi32>
    %lt3A_93 = arith.cmpi slt, %add3A_16, %lt3A_92 : vector<16xi32>
    %eq3A = arith.constant 50 : i32
    %eq3A_94 = vector.broadcast %eq3A : i32 to vector<16xi32>
    %eq3A_95 = arith.cmpi eq, %sub3A_26, %eq3A_94 : vector<16xi32>
    %jit3A_96 = arith.constant 1000001 : i32
    %broadcast_in_dim3A_97 = vector.broadcast %jit3A_96 : i32 to vector<16xi32>
    %select_n3A = arith.select %eq3A_95, %broadcast_in_dim3A_97, %gather3A_90 : vector<16xi1>, vector<16xi32>
    %select_n3A_98 = arith.select %lt3A_93, %gather3A, %select_n3A : vector<16xi1>, vector<16xi32>
    %eq3A_99 = arith.constant 0 : i32
    %eq3A_100 = vector.broadcast %eq3A_99 : i32 to vector<16xi32>
    %eq3A_101 = arith.cmpi eq, %add3A_16, %eq3A_100 : vector<16xi32>
    %eq3A_102 = arith.constant 201 : i32
    %eq3A_103 = vector.broadcast %eq3A_102 : i32 to vector<16xi32>
    %eq3A_104 = arith.cmpi eq, %add3A_16, %eq3A_103 : vector<16xi32>
    %jit3A_105 = arith.constant 1000001 : i32
    %broadcast_in_dim3A_106 = vector.broadcast %jit3A_105 : i32 to vector<16xi32>
    %select_n3A_107 = arith.select %eq3A_104, %broadcast_in_dim3A_106, %select_n3A_98 : vector<16xi1>, vector<16xi32>
    %jit3A_108 = arith.constant 1000000 : i32
    %broadcast_in_dim3A_109 = vector.broadcast %jit3A_108 : i32 to vector<16xi32>
    %select_n3A_110 = arith.select %eq3A_101, %broadcast_in_dim3A_109, %select_n3A_107 : vector<16xi1>, vector<16xi32>
    %swap3A = arith.constant 0 : index
    %swap3A_111 = tpu.vector_load %arg9[%swap3A] {strides = array<i32>} : memref<48xi32, #tpu.memory_space<vmem>>, vector<16xi32>,
    tpu.vector_store %arg9[%swap3A], %select_n3A_110 {strides = array<i32>} : memref<48xi32, #tpu.memory_space<vmem>>, vector<16xi32>,
    %sub3A_112 = arith.constant 1 : i32
    %sub3A_113 = vector.broadcast %sub3A_112 : i32 to vector<16xi32>
    %sub3A_114 = arith.subi %add3A_31, %sub3A_113 : vector<16xi32>
    %jit3A_115 = arith.constant 0 : i32
    %jit3A_116 = arith.constant 199 : i32
    %max3A_117 = vector.broadcast %jit3A_115 : i32 to vector<16xi32>
    %max3A_118 = arith.maxsi %max3A_117, %sub3A_114 : vector<16xi32>
    %min3A_119 = vector.broadcast %jit3A_116 : i32 to vector<16xi32>
    %min3A_120 = arith.minsi %min3A_119, %max3A_118 : vector<16xi32>
    %min3A_121 = arith.constant 49 : i32
    %min3A_122 = vector.broadcast %min3A_121 : i32 to vector<16xi32>
    %min3A_123 = arith.minsi %sub3A_44, %min3A_122 : vector<16xi32>
    %gather3A_124 = tpu.vector_load_idx %arg7[%min3A_120] : memref<200xi32, #tpu.memory_space<vmem>>[vector<16xi32>], vector<16xi32>,
    %gather3A_125 = tpu.vector_load_idx %arg8[%div3A_40, %min3A_123] : memref<26x50xi32, #tpu.memory_space<vmem>>[vector<16xi32>, vector<16xi32>], vector<16xi32>,
    %lt3A_126 = arith.constant 202 : i32
    %lt3A_127 = vector.broadcast %lt3A_126 : i32 to vector<16xi32>
    %lt3A_128 = arith.cmpi slt, %add3A_31, %lt3A_127 : vector<16xi32>
    %eq3A_129 = arith.constant 50 : i32
    %eq3A_130 = vector.broadcast %eq3A_129 : i32 to vector<16xi32>
    %eq3A_131 = arith.cmpi eq, %sub3A_44, %eq3A_130 : vector<16xi32>
    %jit3A_132 = arith.constant 1000001 : i32
    %broadcast_in_dim3A_133 = vector.broadcast %jit3A_132 : i32 to vector<16xi32>
    %select_n3A_134 = arith.select %eq3A_131, %broadcast_in_dim3A_133, %gather3A_125 : vector<16xi1>, vector<16xi32>
    %select_n3A_135 = arith.select %lt3A_128, %gather3A_124, %select_n3A_134 : vector<16xi1>, vector<16xi32>
    %eq3A_136 = arith.constant 0 : i32
    %eq3A_137 = vector.broadcast %eq3A_136 : i32 to vector<16xi32>
    %eq3A_138 = arith.cmpi eq, %add3A_31, %eq3A_137 : vector<16xi32>
    %eq3A_139 = arith.constant 201 : i32
    %eq3A_140 = vector.broadcast %eq3A_139 : i32 to vector<16xi32>
    %eq3A_141 = arith.cmpi eq, %add3A_31, %eq3A_140 : vector<16xi32>
    %jit3A_142 = arith.constant 1000001 : i32
    %broadcast_in_dim3A_143 = vector.broadcast %jit3A_142 : i32 to vector<16xi32>
    %select_n3A_144 = arith.select %eq3A_141, %broadcast_in_dim3A_143, %select_n3A_135 : vector<16xi1>, vector<16xi32>
    %jit3A_145 = arith.constant 1000000 : i32
    %broadcast_in_dim3A_146 = vector.broadcast %jit3A_145 : i32 to vector<16xi32>
    %select_n3A_147 = arith.select %eq3A_138, %broadcast_in_dim3A_146, %select_n3A_144 : vector<16xi1>, vector<16xi32>
    %swap3A_148 = arith.constant 16 : index
    %swap3A_149 = tpu.vector_load %arg9[%swap3A_148] {strides = array<i32>} : memref<48xi32, #tpu.memory_space<vmem>>, vector<16xi32>,
    tpu.vector_store %arg9[%swap3A_148], %select_n3A_147 {strides = array<i32>} : memref<48xi32, #tpu.memory_space<vmem>>, vector<16xi32>,
    %sub3A_150 = arith.constant 1 : i32
    %sub3A_151 = vector.broadcast %sub3A_150 : i32 to vector<16xi32>
    %sub3A_152 = arith.subi %add3A_49, %sub3A_151 : vector<16xi32>
    %jit3A_153 = arith.constant 0 : i32
    %jit3A_154 = arith.constant 199 : i32
    %max3A_155 = vector.broadcast %jit3A_153 : i32 to vector<16xi32>
    %max3A_156 = arith.maxsi %max3A_155, %sub3A_152 : vector<16xi32>
    %min3A_157 = vector.broadcast %jit3A_154 : i32 to vector<16xi32>
    %min3A_158 = arith.minsi %min3A_157, %max3A_156 : vector<16xi32>
    %min3A_159 = arith.constant 49 : i32
    %min3A_160 = vector.broadcast %min3A_159 : i32 to vector<16xi32>
    %min3A_161 = arith.minsi %sub3A_62, %min3A_160 : vector<16xi32>
    %gather3A_162 = tpu.vector_load_idx %arg7[%min3A_158] : memref<200xi32, #tpu.memory_space<vmem>>[vector<16xi32>], vector<16xi32>,
    %gather3A_163 = tpu.vector_load_idx %arg8[%div3A_58, %min3A_161] : memref<26x50xi32, #tpu.memory_space<vmem>>[vector<16xi32>, vector<16xi32>], vector<16xi32>,
    %lt3A_164 = arith.constant 202 : i32
    %lt3A_165 = vector.broadcast %lt3A_164 : i32 to vector<16xi32>
    %lt3A_166 = arith.cmpi slt, %add3A_49, %lt3A_165 : vector<16xi32>
    %eq3A_167 = arith.constant 50 : i32
    %eq3A_168 = vector.broadcast %eq3A_167 : i32 to vector<16xi32>
    %eq3A_169 = arith.cmpi eq, %sub3A_62, %eq3A_168 : vector<16xi32>
    %jit3A_170 = arith.constant 1000001 : i32
    %broadcast_in_dim3A_171 = vector.broadcast %jit3A_170 : i32 to vector<16xi32>
    %select_n3A_172 = arith.select %eq3A_169, %broadcast_in_dim3A_171, %gather3A_163 : vector<16xi1>, vector<16xi32>
    %select_n3A_173 = arith.select %lt3A_166, %gather3A_162, %select_n3A_172 : vector<16xi1>, vector<16xi32>
    %eq3A_174 = arith.constant 0 : i32
    %eq3A_175 = vector.broadcast %eq3A_174 : i32 to vector<16xi32>
    %eq3A_176 = arith.cmpi eq, %add3A_49, %eq3A_175 : vector<16xi32>
    %eq3A_177 = arith.constant 201 : i32
    %eq3A_178 = vector.broadcast %eq3A_177 : i32 to vector<16xi32>
    %eq3A_179 = arith.cmpi eq, %add3A_49, %eq3A_178 : vector<16xi32>
    %jit3A_180 = arith.constant 1000001 : i32
    %broadcast_in_dim3A_181 = vector.broadcast %jit3A_180 : i32 to vector<16xi32>
    %select_n3A_182 = arith.select %eq3A_179, %broadcast_in_dim3A_181, %select_n3A_173 : vector<16xi1>, vector<16xi32>
    %jit3A_183 = arith.constant 1000000 : i32
    %broadcast_in_dim3A_184 = vector.broadcast %jit3A_183 : i32 to vector<16xi32>
    %select_n3A_185 = arith.select %eq3A_176, %broadcast_in_dim3A_184, %select_n3A_182 : vector<16xi1>, vector<16xi32>
    %swap3A_186 = arith.constant 32 : index
    %swap3A_187 = tpu.vector_load %arg9[%swap3A_186] {strides = array<i32>} : memref<48xi32, #tpu.memory_space<vmem>>, vector<16xi32>,
    tpu.vector_store %arg9[%swap3A_186], %select_n3A_185 {strides = array<i32>} : memref<48xi32, #tpu.memory_space<vmem>>, vector<16xi32>,
    %dma_start3A = arith.constant 0 : i32
    %dma_start3A_188 = tpu.memref_slice %arg4[%dma_start3A] : memref<1000002xi32, #tpu.memory_space<hbm>> -> memref<1000002xi32, #tpu.memory_space<hbm>>
    tpu.enqueue_indirect_dma source(%dma_start3A_188 : memref<1000002xi32, #tpu.memory_space<hbm>>) target(%arg11 : memref<48xi32, #tpu.memory_space<vmem>>) offsets(%arg9 : memref<48xi32, #tpu.memory_space<vmem>>) semaphore(%arg14 : memref<!tpu.dma_semaphore, #tpu.memory_space<semaphore_mem>>)
    %dma_wait3A = arith.constant 0 : i32
    %dma_wait3A_189 = tpu.memref_slice %arg4[%dma_wait3A] : memref<1000002xi32, #tpu.memory_space<hbm>> -> memref<1000002xi32, #tpu.memory_space<hbm>>
    tpu.wait_indirect_dma semaphore(%arg14 : memref<!tpu.dma_semaphore, #tpu.memory_space<semaphore_mem>>) src(%dma_wait3A_189 : memref<1000002xi32, #tpu.memory_space<hbm>>) dst(%arg11 : memref<48xi32, #tpu.memory_space<vmem>>)
    %dma_start3A_190 = tpu.memref_slice %arg5[%multiple_of3A] : memref<1528xi32, #tpu.memory_space<hbm>> -> memref<48xi32, #tpu.memory_space<hbm>>
    %dma_start3A_191 = tpu.memref_slice %arg5[%multiple_of3A] : memref<1528xi32, #tpu.memory_space<hbm>> -> memref<48xi32, #tpu.memory_space<hbm>>
    tpu.enqueue_dma source(%arg11 : memref<48xi32, #tpu.memory_space<vmem>>) target(%dma_start3A_191 : memref<48xi32, #tpu.memory_space<hbm>>) target_semaphore(%arg16 : memref<!tpu.dma_semaphore, #tpu.memory_space<semaphore_mem>>)
    %dma_wait3A_192 = tpu.memref_slice %arg5[%multiple_of3A] : memref<1528xi32, #tpu.memory_space<hbm>> -> memref<48xi32, #tpu.memory_space<hbm>>
    %dma_wait3A_193 = tpu.memref_slice %arg5[%multiple_of3A] : memref<1528xi32, #tpu.memory_space<hbm>> -> memref<48xi32, #tpu.memory_space<hbm>>
    tpu.wait_dma2 semaphore(%arg16 : memref<!tpu.dma_semaphore, #tpu.memory_space<semaphore_mem>>) src(%arg11 : memref<48xi32, #tpu.memory_space<vmem>>) dst(%dma_wait3A_193 : memref<48xi32, #tpu.memory_space<hbm>>)
    %lt3A_194 = arith.constant 4 : i32
    %lt3A_195 = arith.cmpi slt, %add3A, %lt3A_194 : i32
    %convert_element_type3A_196 = arith.extui %lt3A_195 : i1 to i32
    %cond3A_197 = arith.constant 0 : i32
    %cond3A_198 = arith.cmpi ne, %convert_element_type3A_196, %cond3A_197 : i32
    scf.if %cond3A_198 {
      %dma_wait3A_199 = tpu.memref_slice %arg6[%multiple_of3A_67] : memref<1528xi32, #tpu.memory_space<hbm>> -> memref<384xi32, #tpu.memory_space<hbm>>
      %dma_wait3A_200 = tpu.memref_slice %arg6[%multiple_of3A_67] : memref<1528xi32, #tpu.memory_space<hbm>> -> memref<384xi32, #tpu.memory_space<hbm>>
      tpu.wait_dma2 semaphore(%arg15 : memref<!tpu.dma_semaphore, #tpu.memory_space<semaphore_mem>>) src(%arg10 : memref<384xi32, #tpu.memory_space<vmem>>) dst(%dma_wait3A_200 : memref<384xi32, #tpu.memory_space<hbm>>)
    } else {
    }
    return
  }
}

</mosaic_0001>

<sc_bundles>
// kernel: kernel.3.cloned.1.call-start
scs
__scs_entry_jumppad:
0x0: {  	(pc) =	sbr.rel $0x88, $3  }
0x1: {  	(tag) =	ssettag $0x0;
	lr =	simm.s32 $0x1  }
0x2: {  	[smem:$0x3F9E] =	sst lr;
	_ =	strace $0xD0000000  }
0x3: {  	_ = 	snop  }
0x4: {  	_ = 	snop  }
0x5: {  	_ = 	snop  }
0x6: {  	_ = 	snop  }
0x7: {  	_ = 	snop  }
__scs_overlays_trampoline_lowered:
0x8: {  	[smem:$0x3FAD] =	sst s0  }
0x9: {  	[smem:$0x3FAE] =	sst s1  }
0xa: {  	[smem:$0x3FAF] =	sst s2  }
0xb: {  	[smem:$0x3FB0] =	sst s3  }
0xc: {  	[smem:$0x3FB1] =	sst s4  }
0xd: {  	[smem:$0x3FB2] =	sst s5  }
0xe: {  	[smem:$0x3FB3] =	sst s6  }
0xf: {  	[smem:$0x3FB4] =	sst s7  }
0x10: {  	[smem:$0x3FB5] =	sst s8  }
0x11: {  	[smem:$0x3FB6] =	sst s9;
	s0 =	simm.s32 @!p0 $0x0  }
0x12: {  	s1 =	sld [smem:$0x3F9C];
	s0 =	simm.s32 @p0 $0x1  }
0x13: {  	[smem:$0x3FB7] =	sst s0;
	s0 =	simm.s32 @!p1 $0x0  }
0x14: {  	s2 =	sld [smem:$0x3F9B];
	s0 =	simm.s32 @p1 $0x1  }
0x15: {  	[smem:$0x3FB8] =	sst s0;
	s0 =	simm.s32 @!p2 $0x0  }
0x16: {  	s3 =	sld [smem:$0x3FDB];
	s0 =	simm.s32 @p2 $0x1  }
0x17: {  	s4 =	simm.s32 $0x1BF5;
	[smem:$0x3FBA] =	sst s0  }
0x18: {  	s0 =	sld [smem:$0x3F9D];
	_ =	swait.ge [sflag:s4], $0x0  }
0x19: {  	s7 =	sld [smem:$0x3F9E]  }
0x1a: {  	s8 =	sadd.s32 $0xFFFFE003, lr  }
0x1b: {  	s9 =	sadd.s32 $0xFFFFFEF7, lr;
	s5 =	simm.s32 $0xFFFFFFFF;
	p2 =	slt.u32 s8, $0xFFFFF086  }
0x1c: {  	p1 =	slt.u32 s9, $0xF7A;
	s5 =	simm.s32 @!p2 $0x0  }
0x1d: {  	s5 =	simm.s32 @p1 $0x1;
	p0 =	seq.s32 s7, s2  }
0x1e: {  	s7 =	smul.u32 @!p0 $0xF7A, s2;
	p2 =	seq.s32 @!p0 s5, $0x0  }
0x1f: {  	s9 =	smul.u32 $0xF7A, s1;
	s8 =	simm.s32 @!p0 $0x1BF5;
	p2 =	por !p2, p0  }
0x20: {  	[sflag:s8] =	ssyncset.s32 @!p0 $0xFFFFF086;
	s6 =	sadd.s32 @!p0 s3, s7;
	s7 =	simm.s32 @!p0 $0x108  }
0x21: {  	s3 =	sadd.s32 s3, s9;
	s6 =	sadd.s32 @!p0 $0x88, s6;
	s7 =	simm.s32 @p2 $0x1082  }
0x22: {  	[simem:s7], [sflag:s8] =	dma.local @!p0 [hbm:s6], $0xF7A  }
0x23: {  	s9 =	sor.u32 $0xD0000000, s2;
	s6 =	simm.s32 $0x108;
	_ =	swait.ge @!p0 [sflag:s8], $0x0  }
0x24: {  	s3 =	sadd.s32 $0x88, s3;
	s6 =	simm.s32 @!p1 $0x1082;
	[sflag:s4] =	ssyncset.s32 $0xFFFFF086  }
0x25: {  	[simem:s6], [sflag:s4] =	dma.local [hbm:s3], $0xF7A  }
0x26: {  	[smem:$0x3F9E] =	sst s1;
	(tag) =	ssettag s2;
	_ =	strace s9  }
0x27: {  	s1 =	sld [smem:$0x3FAE]  }
0x28: {  	s2 =	sld [smem:$0x3FAF]  }
0x29: {  	s4 =	sld [smem:$0x3FB1]  }
0x2a: {  	p0 =	seq.s32 s5, $0x0;
	s5 =	sld [smem:$0x3FB2]  }
0x2b: {  	s6 =	sld [smem:$0x3FB3]  }
0x2c: {  	s7 =	sld [smem:$0x3FB4]  }
0x2d: {  	s3 =	simm.s32 $0x108;
	s8 =	sld [smem:$0x3FB5]  }
0x2e: {  	s3 =	simm.s32 @!p0 $0x1082;
	s9 =	sld [smem:$0x3FB6]  }
0x2f: {  	lr =	sadd.s32 s0, s3;
	s0 =	sld [smem:$0x3FAD]  }
0x30: {  	s3 =	sld [smem:$0x3FB0]  }
0x31: {  	[smem:$0x3FB9] =	sst s10  }
0x32: {  	s10 =	sld [smem:$0x3FB7];
	_ =	sdelay $0x3  }
0x33: {  	p0 =	seq.s32 s10, $0x1;
	s10 =	sld [smem:$0x3FB9];
	_ =	sdelay $0x3  }
0x34: {  	[smem:$0x3FB9] =	sst s10  }
0x35: {  	s10 =	sld [smem:$0x3FB8];
	_ =	sdelay $0x3  }
0x36: {  	p1 =	seq.s32 s10, $0x1;
	s10 =	sld [smem:$0x3FB9];
	_ =	sdelay $0x3  }
0x37: {  	[smem:$0x3FB9] =	sst s10  }
0x38: {  	s10 =	sld [smem:$0x3FBA]  }
0x39: {  	_ = 	snop;
	(pc) =	sbr.ind lr, $3  }
0x3a: {  	_ = 	snop  }
0x3b: {  	_ = 	snop  }
0x3c: {  	p2 =	seq.s32 s10, $0x1;
	s10 =	sld [smem:$0x3FB9]  }
0x3d: {  	_ =	shalt  }
0x3e: {  	_ =	shalt  }
0x3f: {  	_ =	shalt  }
0x40: {  	_ =	shalt  }
0x41: {  	_ =	shalt  }
0x42: {  	_ =	shalt  }
0x43: {  	_ =	shalt  }
0x44: {  	_ =	shalt  }
0x45: {  	_ =	shalt  }
0x46: {  	_ =	shalt  }
0x47: {  	_ =	shalt  }
0x48: {  	_ =	shalt  }
0x49: {  	_ =	shalt  }
0x4a: {  	_ =	shalt  }
0x4b: {  	_ =	shalt  }
0x4c: {  	_ =	shalt  }
0x4d: {  	_ =	shalt  }
0x4e: {  	_ =	shalt  }
0x4f: {  	_ =	shalt  }
0x50: {  	_ =	shalt  }
0x51: {  	_ =	shalt  }
0x52: {  	_ =	shalt  }
0x53: {  	_ =	shalt  }
0x54: {  	_ =	shalt  }
0x55: {  	_ =	shalt  }
0x56: {  	_ =	shalt  }
0x57: {  	_ =	shalt  }
0x58: {  	_ =	shalt  }
0x59: {  	_ =	shalt  }
0x5a: {  	_ =	shalt  }
0x5b: {  	_ =	shalt  }
0x5c: {  	_ =	shalt  }
0x5d: {  	_ =	shalt  }
0x5e: {  	_ =	shalt  }
0x5f: {  	_ =	shalt  }
0x60: {  	_ =	shalt  }
0x61: {  	_ =	shalt  }
0x62: {  	_ =	shalt  }
0x63: {  	_ =	shalt  }
0x64: {  	_ =	shalt  }
0x65: {  	_ =	shalt  }
0x66: {  	_ =	shalt  }
0x67: {  	_ =	shalt  }
0x68: {  	_ =	shalt  }
0x69: {  	_ =	shalt  }
0x6a: {  	_ =	shalt  }
0x6b: {  	_ =	shalt  }
0x6c: {  	_ =	shalt  }
0x6d: {  	_ =	shalt  }
0x6e: {  	_ =	shalt  }
0x6f: {  	_ =	shalt  }
0x70: {  	_ =	shalt  }
0x71: {  	_ =	shalt  }
0x72: {  	_ =	shalt  }
0x73: {  	_ =	shalt  }
0x74: {  	_ =	shalt  }
0x75: {  	_ =	shalt  }
0x76: {  	_ =	shalt  }
0x77: {  	_ =	shalt  }
0x78: {  	_ =	shalt  }
0x79: {  	_ =	shalt  }
0x7a: {  	_ =	shalt  }
0x7b: {  	_ =	shalt  }
0x7c: {  	_ =	shalt  }
0x7d: {  	_ =	shalt  }
0x7e: {  	_ =	shalt  }
0x7f: {  	_ =	shalt  }
0x80: {  	_ =	shalt  }
0x81: {  	_ =	shalt  }
0x82: {  	_ =	shalt  }
0x83: {  	_ =	shalt  }
0x84: {  	_ =	shalt  }
0x85: {  	_ =	shalt  }
0x86: {  	_ =	shalt  }
0x87: {  	_ =	shalt  }
.Lfunc_end0:
.L_simem_size_0:
called_computation_lowered:
.L_overlay_start_0:
0x88: {  	s2 =	sld [smem:$0x3FD9]  }
0x89: {  	s3 =	sld [smem:$0x3FFE];
	_ =	sdelay $0x1  }
0x8a: {  	s1 =	srdreg.scid  }
0x8b: {  	s0 =	sand.u32 $0x1, s1  }
0x8c: {  	s15 =	sshll.u32 s0, $0xA;
	s2 =	sadd.s32 s3, s2  }
0x8d: {  	s2 =	sadd.s32 s2, s15  }
0x8e: {  	[smem:$0x3FC5] =	sst s2  }
0x8f: {  	_ = 	snop  }
0x90: {  	s2 =	sld [smem:$0x3FD0]  }
0x91: {  	s16 =	sld [smem:$0x3FC9]  }
0x92: {  	s4 =	sld [smem:$0x3FC8]  }
0x93: {  	s6 =	simm.s32 $0xA;
	s7 =	simm.s32 $0x10;
	s5 =	sld [smem:$0x3FC7]  }
0x94: {  	[smem:s7], [sflag:s6] =	dma.local [hbm:s2], $0x1  }
0x95: {  	_ =	swait.eq [sflag:s6], $0x1  }
0x96: {  	[sflag:s6] =	ssyncset.done $0x0  }
0x97: {  	s17 =	sld [smem:$0x10];
	[sflag:s6] =	ssyncadd.s32 $0xFFFFFFFF  }
0x98: {  	s18 =	sld [smem:$0x11];
	(tm) =	ssettm $0x1  }
0x99: {  	s19 =	sld [smem:$0x3FFB];
	_ =	sdelay $0x3  }
0x9a: {  	_ =	strace s19  }
0x9b: {  	s7 =	sld [smem:$0x3FFC];
	_ =	sdelay $0x3  }
0x9c: {  	_ =	strace s7  }
0x9d: {  	s7 =	sld [smem:$0x3FFD];
	_ =	sdelay $0x3  }
0x9e: {  	_ =	strace s7  }
0x9f: {  	_ =	strace $0x8FFFFFFF  }
0xa0: {  	s20 =	sld [smem:$0x3FDB];
	_ =	sdelay $0x1  }
0xa1: {  	s8 =	simm.s32 $_scs_section_size  }
0xa2: {  	s9 =	simm.s32 $_size__tile_overlayer_lowered;
	s10 =	simm.s32 $_tile_overlayer_lowered  }
0xa3: {  	s23 =	simm.s32 $0x1BFF;
	s22 =	sshll.u32 s10, $0x1;
	s7 =	sadd.s32 s8, s20  }
0xa4: {  	s11 =	simm.s32 $0x0;
	s21 =	sshll.u32 s9, $0x1;
	s9 =	sadd.s32 s22, s7  }
0xa5: {  	[timem:s11], [sflag:s23] =	dma.local [hbm:s9], s21  }
0xa6: {  	_ =	swait.ge [sflag:s23], s21  }
0xa7: {  	s8 =	ssub.s32 $0x0, s21;
	[sflag:s23] =	ssyncset.done $0x0  }
0xa8: {  	[sflag:s23] =	ssyncadd.s32 s8;
	_ =	sdelay $0x1  }
0xa9: {  	s24 =	simm.s32 $0x1B8B  }
0xaa: {  	_ =	swait.ge [sflag:s24], $0x1  }
0xab: {  	[sflag:s24] =	ssyncset.done $0x0  }
0xac: {  	s25 =	simm.s32 $0x1B8E;
	[sflag:s24] =	ssyncadd.s32 $0xFFFFFFFF  }
0xad: {  	s26 =	simm.s32 $execute0_lowered;
	[smem:$0x3FD2] =	sst s25  }
0xae: {  	s8 =	sshll.u32 s26, $0x1;
	_ =	strace $0x80000046;
	[dreg:$0x1] =	wrdreg $0xFFFFFFFF  }
0xaf: {  	s28 =	simm.s32 $_size_execute0_lowered;
	s7 =	sadd.s32 s7, s8;
	[dreg:$0x0] =	wrdreg $0x0  }
0xb0: {  	s8 =	sshll.u32 s28, $0x1;
	[dreg:$0x2] =	wrdreg s7  }
0xb1: {  	[dreg:$0x3] =	wrdreg s8  }
0xb2: {  	[dreg:$0x4] =	wrdreg $0xC0  }
0xb3: {  	_ =	task [dreg:s11], $0x5FFFF  }
0xb4: {  	[dreg:$0x1] =	wrdreg $0xFFFFFFFF  }
0xb5: {  	[dreg:$0x0] =	wrdreg $0x60  }
0xb6: {  	[dreg:$0x2] =	wrdreg s16  }
0xb7: {  	[dreg:$0x3] =	wrdreg s4  }
0xb8: {  	[dreg:$0x4] =	wrdreg s5  }
0xb9: {  	[dreg:$0x5] =	wrdreg s17  }
0xba: {  	[dreg:$0x6] =	wrdreg s18  }
0xbb: {  	[dreg:$0x7] =	wrdreg $0x9  }
0xbc: {  	_ =	task.clear_ibuf [dreg:s11], $0x8FFFF;
	_ =	strace $0x90000046  }
0xbd: {  	s29 =	simm.s32 $0x9;
	_ =	strace $0x80000048  }
0xbe: {  	_ =	swait.ge [sflag:s29], $0x1  }
0xbf: {  	[sflag:s29] =	ssyncadd.s32 $0xFFFFFFFF  }
0xc0: {  	_ =	strace $0x90000048  }
0xc1: {  	_ =	sfence  }
0xc2: {  	s30 =	sld [smem:$0x0];
	_ =	sdelay $0x2  }
0xc3: {  	s31 =	sshll.u32 s1, $0xD;
	s1 =	sshrl.u32 s1, $0x2  }
0xc4: {  	s3 =	sand.u32 $0x4000, s31;
	s1 =	sadd.s32 s1, s30  }
0xc5: {  	s0 =	sor.u32 s3, s0;
	s1 =	sshll.u32 s1, $0x11  }
0xc6: {  	s0 =	sor.u32 s1, s0  }
0xc7: {  	s0 =	sadd.s32 $0x8F2B, s0  }
0xc8: {  	[sflag:s0] =	ssyncadd.remote.s32 $0x1  }
0xc9: {  	_ =	sfence.sel $0xFFFF  }
0xca: {  	[dreg:$0x0] =	wrdreg $0xFFFFFFFF;
	(pc) =	sbr.abs _section_cstart, $3  }
0xcb: {  	[dreg:$0x1] =	wrdreg $0xFFFFFFFF  }
0xcc: {  	_ =	task.clear_ibuf [dreg:s11], $0x2FFFF;
	_ =	strace $0x9FFFFFFF  }
0xcd: {  	(tm) =	ssettm $0x7FFFFFFF  }
tec
execute0_lowered:
.L_overlay_start_1:
0x0: {  	(tag) =	ssettag $0x1  }
0x1: {  	s1 =	srdreg.scid;
	s0 =	stileid.u32  }
0x2: {  	s6 =	sand.u32 $0x1, s1;
	s28 =	sshll.u32 s0, $0x1  }
0x3: {  	s14 =	ssub.s32 s28, s6  }
0x4: {  	s4 =	sadd.s32 $0x1, s14  }
0x5: {  	s29 =	smul.u32 $0x30, s4  }
0x6: {  	v5 =	vlaneseq.u32  }
0x7: {  	v0 =	vadd.s32 $0xFFFFFF36, v5;
	v11 =	vadd.s32 $0xFFFFFFFF, v5;
	s8 =	smin.u32 s29, $0x5C8  }
0x8: {  	v16 =	vmul.u32 $0xFFFFFFFF, v5;
	v1 =	vadd.s32 s8, v0;
	s3 =	sadd.s32 $0x10, s8;
	s7 =	sadd.s32 $0x20, s8;
	v8 =	vadd.s32 s8, v5  }
0x9: {  	vm0 =	vgt.s32 v1, $0x0;
	v2 =	vadd.s32 s3, v0;
	v4 =	vadd.s32 s7, v0  }
0xa: {  	v13 =	vadd.s32 s3, v5;
	v14 =	vadd.s32 s7, v5;
	vm6 =	veq.s32 v8, $0xC9  }
0xb: {  	vm7 =	veq.s32 v8, $0x0;
	vm9 =	vlt.u32 v8, $0xCA;
	v1 =	vnsel vm0, $0x0, v1  }
0xc: {  	vm0 =	vgt.s32 v2, $0x0;
	vm2 =	vlt.u32 v14, $0xCA;
	v3 =	vmulhi.u32 $0x5050506, v1  }
0xd: {  	vm3 =	veq.s32 v13, $0xC9;
	v2 =	vnsel vm0, $0x0, v2;
	vm0 =	vgt.s32 v4, $0x0  }
0xe: {  	v6 =	vmulhi.u32 $0x5050506, v2;
	v4 =	vnsel vm0, $0x0, v4;
	v7 =	vmul.u32 $0xFFFFFFCD, v3  }
0xf: {  	vm5 =	vlt.u32 v13, $0xCA;
	v10 =	vmulhi.u32 $0x5050506, v4;
	v3 =	vshll.u32 v3, $0x7  }
0x10: {  	v9 =	vmul.u32 $0xFFFFFFCD, v6;
	v6 =	vshll.u32 v6, $0x7;
	v12 =	vadd.s32 v1, v7  }
0x11: {  	s2 =	rddreg [dreg:$0x1];
	v1 =	vadd.s32 s8, v11;
	v7 =	vadd.s32 s3, v11;
	v11 =	vadd.s32 s7, v11  }
0x12: {  	s9 =	rddreg [dreg:$0x3];
	v9 =	vadd.s32 v2, v9;
	v2 =	vmul.u32 $0xFFFFFFCD, v10;
	vm0 =	vgt.s32 v1, $0x0  }
0x13: {  	s10 =	rddreg [dreg:$0x4];
	v10 =	vshll.u32 v10, $0x7;
	vm8 =	veq.s32 v12, $0x32;
	v1 =	vnsel vm0, $0x0, v1  }
0x14: {  	s5 =	simm.s32 $0x0;
	s13 =	simm.s32 $0x2;
	s15 =	simm.s32 $0x1100;
	vm0 =	vlt.s32 v12, $0x31;
	vm1 =	vlt.s32 v9, $0x31;
	vm4 =	veq.s32 v9, $0x32  }
0x15: {  	s16 =	simm.s32 $0x1300;
	s17 =	simm.s32 $0x3;
	s18 =	simm.s32 $0x5;
	v15 =	vadd.s32 v4, v2;
	v1 =	vmin.u32 v1, $0xC7;
	v2 =	vnsel vm0, $0x31, v12  }
0x16: {  	s19 =	simm.s32 $0x0;
	s1 =	rddreg [dreg:$0x0];
	s30 =	ssub.s32 $0x2, s6;
	vm0 =	vgt.s32 v7, $0x0;
	v4 =	vand.u32 $0xFFFFFF80, v2;
	v2 =	vand.u32 $0x7F, v2  }
0x17: {  	[smem:$0x7FF] =	sst s5;
	s31 =	sshrl.u32 s30, $0x1;
	s11 =	smul.u32 $0x180, s4;
	v3 =	vadd.s32 v3, v4;
	v4 =	vnsel vm0, $0x0, v7;
	v7 =	vnsel vm1, $0x31, v9  }
0x18: {  	p0 =	sgt.s32 s14, $0x3;
	p1 =	slt.s32 s14, $0x3;
	p2 =	sgt.s32 s14, $0x2;
	v2 =	vor.u32 v2, v3;
	v3 =	vmin.u32 v4, $0xC7;
	v4 =	vand.u32 $0xFFFFFF80, v7  }
.Ltmp0:
0x19: {  	s14 =	simm.s32 $0x30;
	s6 =	smin.u32 s11, $0x478;
	vm1 =	vlt.s32 v15, $0x31;
	v7 =	vand.u32 $0x7F, v7;
	v4 =	vadd.s32 v6, v4;
	(pc) =	sbr.rel .LBB2_1-.Ltmp0, $4  }
0x1a: {  	s4 =	rddreg [dreg:$0x5];
	s11 =	ssub.s32 s30, s31;
	s12 =	sshrl.u32 s6, $0x3;
	vm0 =	vgt.s32 v11, $0x0;
	v4 =	vor.u32 v7, v4;
	v7 =	vnsel vm1, $0x31, v15  }
0x1b: {  	s3 =	rddreg [dreg:$0x2];
	_ =	strace $0x80000047;
	s7 =	sadd.s32 s10, s12;
	v6 =	vnsel vm0, $0x0, v11;
	vm0 =	veq.s32 v14, $0xC9;
	v63 =	vand.u32 $0xFFFFFF80, v7  }
0x1c: {  	s8 =	sshrl.u32 s8, $0x3;
	s10 =	simm.s32 $0x100;
	s12 =	simm.s32 $0x1180;
	v5 =	vmin.u32 v6, $0xC7;
	v6 =	vand.u32 $0x7F, v7;
	v7 =	vadd.s32 v10, v63  }
0x1d: {  	s8 =	sadd.s32 s9, s8;
	s9 =	smax.u32 s11, $0x1;
	s11 =	simm.s32 $0x1;
	vm1 =	veq.s32 v15, $0x32;
	v6 =	vor.u32 v6, v7;
	v7 =	vadd.s32 $0xCA, v16  }
.LBB2_7:
0x1e: {  	[tilespmem:s10], [sflag:$0x2] =	stream.linear.gather [hbm4b:s2+s5], $0xD00, $0x38;
	[tilespmem:$0x1380] =	vst v63  }
.LBB2_8:
0x1f: {  	_ =	swait.ge [sflag:s13], $0xD00  }
0x20: {  	[sflag:s13] =	ssyncset.done $0x0  }
0x21: {  	[sflag:s13] =	ssyncadd.s32 $0xFFFFF300  }
.LBB2_9:
0x22: {  	_ =	sdelay $0x3  }
0x23: {  	v8 =	vld.idx.msk [tilespmem:v2+s10+$0x0], $0xffff  }
0x24: {  	v9 =	vld.idx.msk [tilespmem:v1+s5+$0x0], $0xffff;
	_ =	sdelay $0x3  }
0x25: {  	v8 =	vsel vm8, $0xF4241, v8  }
0x26: {  	v8 =	vsel vm9, v9, v8  }
0x27: {  	v8 =	vsel vm6, $0xF4241, v8  }
0x28: {  	v8 =	vsel vm7, $0xF4240, v8  }
0x29: {  	[tilespmem:$0x1100] =	vst v8  }
0x2a: {  	v8 =	vld.idx.msk [tilespmem:v4+s10+$0x0], $0xffff  }
0x2b: {  	v62 =	vld.idx.msk [tilespmem:v3+s5+$0x0], $0xffff;
	_ =	sdelay $0x3  }
0x2c: {  	v8 =	vsel vm4, $0xF4241, v8  }
0x2d: {  	v8 =	vsel vm5, v62, v8  }
0x2e: {  	v8 =	vsel vm3, $0xF4241, v8  }
0x2f: {  	[tilespmem:$0x1110] =	vst v8  }
0x30: {  	v8 =	vld.idx.msk [tilespmem:v6+s10+$0x0], $0xffff  }
0x31: {  	v63 =	vld.idx.msk [tilespmem:v5+s5+$0x0], $0xffff;
	_ =	sdelay $0x3  }
0x32: {  	v8 =	vsel vm1, $0xF4241, v8  }
0x33: {  	v8 =	vsel vm2, v63, v8  }
0x34: {  	v8 =	vsel vm0, $0xF4241, v8  }
0x35: {  	[tilespmem:$0x1120] =	vst v8  }
0x36: {  	[tilespmem:s16], [sflag:$0x3] =	stream.indirect.gather [hbm4b:s3+s14], $0x1, s15, s14, $0xb8;
	[tilespmem:$0x1380] =	vst v63  }
0x37: {  	_ =	swait.ge [sflag:s17], $0x30  }
0x38: {  	[sflag:s17] =	ssyncset.done $0x0  }
0x39: {  	s19 =	sadd.s32 $0x1, s19;
	[sflag:s17] =	ssyncadd.s32 $0xFFFFFFD0  }
0x3a: {  	[hbm4b:s8+s5] =	stream.linear.scatter [tilespmem:s16], [sflag:$0x5], $0x30, $0x38;
	[tilespmem:$0x1380] =	vst v63  }
0x3b: {  	p3 =	sne.s32 s19, s9;
	_ =	swait.ge [sflag:s18], $0x30  }
.Ltmp1:
0x3c: {  	[sflag:s18] =	ssyncset.done $0x0;
	(pc) =	sbr.rel @!p3 .LBB2_10-.Ltmp1, $4  }
0x3d: {  	s20 =	simm.s32 @!p2 $0x4;
	[sflag:s18] =	ssyncadd.s32 $0xFFFFFFD0  }
0x3e: {  	_ =	swait.ge @!p2 [sflag:s20], $0x180  }
0x3f: {  	[sflag:s20] =	ssyncset.done @!p2 $0x0  }
0x40: {  	[sflag:s20] =	ssyncadd.s32 @!p2 $0xFFFFFE80  }
.LBB2_1:
.Ltmp2:
0x41: {  	(pc) =	sbr.rel @p0 .LBB2_7-.Ltmp2, $1  }
0x42: {  	_ =	sdelay $0x3  }
.Ltmp3:
0x43: {  	(pc) =	sbr.rel @p1 .LBB2_4-.Ltmp3, $3  }
0x44: {  	_ =	sdelay $0x1  }
0x45: {  	s20 =	simm.s32 $0x0  }
0x46: {  	[tilespmem:s20], [sflag:$0x1] =	stream.linear.gather [hbm4b:s1+s20], $0x100, $0x38;
	[tilespmem:$0x1380] =	vst v63  }
.Ltmp4:
0x47: {  	(pc) =	sbr.rel .LBB2_8-.Ltmp4, $4  }
0x48: {  	[tilespmem:s10], [sflag:$0x2] =	stream.linear.gather [hbm4b:s2+s5], $0xD00, $0x38;
	[tilespmem:$0x1380] =	vst v63  }
0x49: {  	_ =	swait.ge [sflag:s11], $0x100  }
0x4a: {  	[sflag:s11] =	ssyncset.done $0x0  }
0x4b: {  	[sflag:s11] =	ssyncadd.s32 $0xFFFFFF00  }
.LBB2_4:
0x4c: {  	v8 =	vadd.s32 s6, v0  }
0x4d: {  	vm10 =	vgt.s32 v8, $0x0  }
0x4e: {  	v8 =	vnsel vm10, $0x0, v8  }
0x4f: {  	v9 =	vmulhi.u32 $0xA0A0A0A1, v8;
	_ =	sdelay $0x1  }
0x50: {  	s21 =	simm.s32 $0x40;
	s22 =	sadd.s32 $0x10, s6;
	v8 =	vmov s6;
	v9 =	vshrl.u32 v9, $0x5  }
.LBB2_5:
0x51: {  	v10 =	vadd.s32 s22, v0;
	p3 =	sne.s32 s21, $0x5C0;
	vm10 =	vlt.u32 v8, v7;
	v8 =	vadd.s32 $0x1, v9;
	s23 =	smov.u32 s21;
	s21 =	sadd.s32 $0x40, s21  }
.Ltmp5:
0x52: {  	s24 =	sshra.s32 s20, $0x2;
	vm11 =	vgt.s32 v10, $0x0;
	v8 =	vsel vm10, $0x0, v8;
	s20 =	smov.u32 s23;
	(pc) =	sbr.rel @p3 .LBB2_5-.Ltmp5, $3  }
0x53: {  	v9 =	vnsel vm11, $0x0, v10;
	[tilespmem:s24+$0x1180] =	vst v8  }
0x54: {  	v9 =	vmulhi.u32 $0xA0A0A0A1, v9;
	_ =	sdelay $0x1  }
0x55: {  	v8 =	vmov s22;
	s22 =	sadd.s32 $0x10, s22;
	v9 =	vshrl.u32 v9, $0x5  }
0x56: {  	vm10 =	vlt.u32 v8, v7;
	v8 =	vadd.s32 $0x1, v9  }
0x57: {  	s20 =	sshra.s32 s20, $0x2;
	v8 =	vsel vm10, $0x0, v8  }
.Ltmp6:
0x58: {  	[tilespmem:s20+$0x1180] =	vst v8;
	(pc) =	sbr.rel .LBB2_9-.Ltmp6, $4  }
0x59: {  	[hbm4b:s7+s5] =	stream.linear.scatter [tilespmem:s12], [sflag:$0x4], $0x180, $0x38;
	[tilespmem:$0x1380] =	vst v63  }
0x5a: {  	_ =	swait.ge [sflag:s11], $0x100  }
0x5b: {  	[sflag:s11] =	ssyncset.done $0x0  }
0x5c: {  	[sflag:s11] =	ssyncadd.s32 $0xFFFFFF00  }
.LBB2_10:
0x5d: {  	_ =	sfence.sel $0x180000  }
0x5e: {  	[bflag:$0x0] =	sbarrier.arrive $0xFFFF  }
0x5f: {  	p0 =	sne.s32 s0, $0x0;
	_ =	strace $0x90000047  }
0x60: {  	s0 =	sadd.s32 @!p0 $0x100000, s4;
	[bflag:$0x2] =	sbarrier.arrive $0xFFFF  }
0x61: {  	[sflag:s0] =	ssyncadd.tile.s32 @!p0 $0x1;
	_ =	shalt  }
.Lfunc_end2:
_tile_overlayer_lowered:
.L_overlay_start_2:
0x62: {  	(tag) =	ssettag $0x2  }
0x63: {  	s0 =	rddreg [dreg:$0x0];
	s2 =	stileid.u32  }
0x64: {  	s1 =	rddreg [dreg:$0x1];
	p0 =	sne.s32 s2, $0x0  }
0x65: {  	s3 =	rddreg [dreg:$0x2];
	[bflag:$0x3] =	sbarrier.arrive $0xFFFF;
	s2 =	simm.s32 @!p0 $0x1C06  }
0x66: {  	[timem:s3], [sflag:s2] =	dma.local @!p0 [hbm:s0], s1  }
0x67: {  	s0 =	simm.s32 @!p0 $0x6  }
0x68: {  	_ =	swait.ge @!p0 [sflag:s0], s1  }
0x69: {  	s1 =	ssub.s32 @!p0 $0x0, s1;
	[sflag:s0] =	ssyncset.done @!p0 $0x0  }
0x6a: {  	[sflag:s0] =	ssyncadd.s32 @!p0 s1  }
0x6b: {  	[bflag:$0x3] =	sbarrier.arrive $0xFFFF  }
0x6c: {  	_ =	shalt  }

</sc_bundles>
